<compile_context>
chip_gen: v7x
topology: tpu7x:2x2x1
jax: 0.10.2.dev20260603
libtpu: 0.0.44.dev20260713+nightly
codegen_flags: <defaults>
</compile_context>

<pallas_src>
import functools

import jax
import jax.numpy as jnp
from jax import lax
from jax.experimental import pallas as pl
from jax.experimental.pallas import tpu as pltpu
from jax.experimental.pallas import tpu_sc as plsc

_E = 16
_T = 16384
_D = 2048
_BT = 512
_NBUF = 4
_NSTEPS = _T // _BT

_NC = 2
_NS = 16
_NW = _NC * _NS
_TPW = _T // _NW


def _mm_body(x_hbm, wt_ref, b_ref, o_ref, buf, sems):
    i = pl.program_id(0)

    @pl.when(i == 0)
    def _prime():
        for j in range(_NBUF - 1):
            pltpu.make_async_copy(
                x_hbm.at[pl.ds(j * _BT, _BT), :], buf.at[j], sems.at[j]
            ).start()

    slot = lax.rem(i, _NBUF)
    pltpu.make_async_copy(
        x_hbm.at[pl.ds(i * _BT, _BT), :], buf.at[slot], sems.at[slot]
    ).wait()

    nxt = i + _NBUF - 1

    @pl.when(nxt < _NSTEPS)
    def _fetch():
        nslot = lax.rem(nxt, _NBUF)
        pltpu.make_async_copy(
            x_hbm.at[pl.ds(nxt * _BT, _BT), :], buf.at[nslot], sems.at[nslot]
        ).start()

    o_ref[...] = (
        jnp.dot(buf[slot], wt_ref[...], preferred_element_type=jnp.float32)
        + b_ref[...]
    )


def _logits_tc(x, wt, b2):
    return pl.pallas_call(
        _mm_body,
        grid=(_NSTEPS,),
        in_specs=[
            pl.BlockSpec(memory_space=pl.ANY),
            pl.BlockSpec((_D, _E), lambda i: (0, 0)),
            pl.BlockSpec((1, _E), lambda i: (0, 0)),
        ],
        out_specs=pl.BlockSpec((_BT, _E), lambda i: (i, 0)),
        out_shape=jax.ShapeDtypeStruct((_T, _E), jnp.float32),
        scratch_shapes=[
            pltpu.VMEM((_NBUF, _BT, _D), jnp.float32),
            pltpu.SemaphoreType.DMA((_NBUF,)),
        ],
    )(x, wt, b2)


def _sc_gate(logits):
    mesh = plsc.VectorSubcoreMesh(core_axis_name="c", subcore_axis_name="s")

    @functools.partial(
        pl.kernel,
        mesh=mesh,
        out_type=jax.ShapeDtypeStruct((_T, _E), jnp.float32),
        scratch_types=[
            pltpu.VMEM((_TPW, _E), jnp.float32),
            pltpu.VMEM((_TPW, _E), jnp.float32),
        ],
        compiler_params=pltpu.CompilerParams(needs_layout_passes=False),
    )
    def k(logits_hbm, out_hbm, lv, ov):
        wid = lax.axis_index("s") * _NC + lax.axis_index("c")
        base = wid * _TPW
        pltpu.sync_copy(logits_hbm.at[pl.ds(base, _TPW)], lv)
        iota = lax.iota(jnp.int32, 16)
        neginf = jnp.float32(-jnp.inf)

        @plsc.parallel_loop(0, _TPW, unroll=4)
        def body(i):
            v = lv[i]
            m1 = jnp.max(v)
            i1 = plsc.all_reduce_ffs(v == m1)
            v2 = jnp.where(iota == i1, neginf, v)
            m2 = jnp.max(v2)
            i2 = plsc.all_reduce_ffs(v2 == m2)
            keep = (iota == i1) | (iota == i2)
            masked = jnp.where(keep, v, 0.0)
            e = jnp.exp(masked - jnp.maximum(m1, 0.0))
            ov[i] = e / jnp.sum(e)

        pltpu.sync_copy(ov, out_hbm.at[pl.ds(base, _TPW)])

    return k(logits)


def kernel(x, W, b):
    wt = W.T
    b2 = b.reshape(1, _E)
    logits = _logits_tc(x, wt, b2)
    return _sc_gate(logits)

# --- scband reference (transcript-rebuilt; emitter-appended) ---
"""Pipeline reference for scband-gating-mechanism-44306882625785 (READ-ONLY COPY).

The authoritative reference and input builder live on the scoring server;
editing this copy changes nothing except your own understanding.
"""

import jax, jax.numpy as jnp
import numpy as np

NUM_EXPERTS = 16
TOP_K = 2
INPUT_DIM = 2048
N_TOKENS = 16384


def setup_inputs(seed: int = 0) -> dict:
    key = jax.random.key(seed)
    k1, k2, k3 = jax.random.split(key, 3)
    x = jax.random.normal(k1, (N_TOKENS, INPUT_DIM), dtype=jnp.float32)
    # nn.Linear(input_dim, num_experts): weight [num_experts, input_dim], bias [num_experts]
    bound = 1.0 / np.sqrt(INPUT_DIM)
    W = jax.random.uniform(k2, (NUM_EXPERTS, INPUT_DIM), dtype=jnp.float32, minval=-bound, maxval=bound)
    b = jax.random.uniform(k3, (NUM_EXPERTS,), dtype=jnp.float32, minval=-bound, maxval=bound)
    return {"x": x, "W": W, "b": b}


def reference(x, W, b):
    logits = x @ W.T + b
    # k < num_experts -> top-k masking branch
    _, topk_idx = jax.lax.top_k(logits, TOP_K)
    rows = jnp.arange(logits.shape[0])[:, None]
    mask = jnp.zeros_like(logits).at[rows, topk_idx].set(1.0)
    logits = logits * mask
    return jax.nn.softmax(logits, axis=-1)

if __name__ == "__main__":
    import jax
    _d = setup_inputs()
    print(jax.jit(kernel)(*tuple(_d.values())))

</pallas_src>

<mosaic_0001>
#map = affine_map<(d0, d1) -> (0, 0)>
module attributes {stable_mosaic.version = 14 : i64} {
  func.func @k(%arg0: i32, %arg1: i32, %arg2: memref<16384x16xf32, #tpu.memory_space<hbm>>, %arg3: memref<16384x16xf32, #tpu.memory_space<hbm>>, %arg4: memref<512x16xf32, #tpu.memory_space<vmem>>, %arg5: memref<512x16xf32, #tpu.memory_space<vmem>>) attributes {dimension_semantics = [#tpu.dimension_semantics<core_parallel>, #tpu.dimension_semantics<subcore_parallel>], iteration_bounds = array<i64: 2, 16>, scalar_prefetch = 0 : i64, scratch_operands = 2 : i64, tpu.core_type = #tpu.core_type<sc_vector_subcore>, window_params = [{transform_indices = #map}, {transform_indices = #map}]} {
    %mul3A = arith.constant 2 : i32
    %mul3A_0 = arith.muli %arg1, %mul3A : i32
    %add3A = arith.addi %mul3A_0, %arg0 : i32
    %mul3A_1 = arith.constant 512 : i32
    %mul3A_2 = arith.muli %add3A, %mul3A_1 : i32
    "tpu.region"() ({
      %run_scoped3A = tpu.sem_alloc : memref<!tpu.dma_semaphore, #tpu.memory_space<semaphore_mem>>
      %dma_start3A = arith.constant 0 : i32
      %dma_start3A_6 = tpu.memref_slice %arg2[%mul3A_2, %dma_start3A] : memref<16384x16xf32, #tpu.memory_space<hbm>> -> memref<512x16xf32, #tpu.memory_space<hbm>>
      %dma_start3A_7 = arith.constant 0 : i32
      %dma_start3A_8 = tpu.memref_slice %arg2[%mul3A_2, %dma_start3A_7] : memref<16384x16xf32, #tpu.memory_space<hbm>> -> memref<512x16xf32, #tpu.memory_space<hbm>>
      tpu.enqueue_dma source(%dma_start3A_8 : memref<512x16xf32, #tpu.memory_space<hbm>>) target(%arg4 : memref<512x16xf32, #tpu.memory_space<vmem>>) target_semaphore(%run_scoped3A : memref<!tpu.dma_semaphore, #tpu.memory_space<semaphore_mem>>)
      %dma_wait3A = arith.constant 0 : i32
      %dma_wait3A_9 = tpu.memref_slice %arg2[%mul3A_2, %dma_wait3A] : memref<16384x16xf32, #tpu.memory_space<hbm>> -> memref<512x16xf32, #tpu.memory_space<hbm>>
      %dma_wait3A_10 = arith.constant 0 : i32
      %dma_wait3A_11 = tpu.memref_slice %arg2[%mul3A_2, %dma_wait3A_10] : memref<16384x16xf32, #tpu.memory_space<hbm>> -> memref<512x16xf32, #tpu.memory_space<hbm>>
      tpu.wait_dma2 semaphore(%run_scoped3A : memref<!tpu.dma_semaphore, #tpu.memory_space<semaphore_mem>>) src(%dma_wait3A_11 : memref<512x16xf32, #tpu.memory_space<hbm>>) dst(%arg4 : memref<512x16xf32, #tpu.memory_space<vmem>>)
      tpu.yield
    }) : () -> ()
    %iota3A = tpu.iota {dimensions = array<i32: 0>} : vector<16xi32>
    %parallel_loop3A = arith.constant 0 : i32
    %parallel_loop3A_3 = arith.constant 512 : i32
    %parallel_loop3A_4 = arith.constant 1 : i32
    %parallel_loop3A_5 = arith.constant 0xFF800000 : f32
    scf.for %parallel_loop3A_6 = %parallel_loop3A to %parallel_loop3A_3 step %parallel_loop3A_4  : i32 {
      %parallel_loop3A_7 = arith.index_cast %parallel_loop3A_6 : i32 to index
      %parallel_loop3A_8 = arith.constant 0 : index
      %parallel_loop3A_9 = tpu.vector_load %arg4[%parallel_loop3A_7, %parallel_loop3A_8] {strides = array<i32>} : memref<512x16xf32, #tpu.memory_space<vmem>>, vector<16xf32>,
      %parallel_loop3A_10 = arith.constant true
      %parallel_loop3A_11 = vector.broadcast %parallel_loop3A_10 : i1 to vector<16xi1>
      %parallel_loop3A_12 = tpu.scan <max>, %parallel_loop3A_9 masked %parallel_loop3A_11 : vector<16xf32>, vector<16xi1> -> vector<16xf32>
      %parallel_loop3A_13 = vector.extract %parallel_loop3A_12[15] : f32 from vector<16xf32>
      %parallel_loop3A_14 = vector.broadcast %parallel_loop3A_13 : f32 to vector<16xf32>
      %parallel_loop3A_15 = arith.cmpf oeq, %parallel_loop3A_9, %parallel_loop3A_14 : vector<16xf32>
      %parallel_loop3A_16 = tpu.all_reduce %parallel_loop3A_15 {dim = 0 : i64, kind = #tpu.reduction_kind<find_first_set>} : vector<16xi1> -> vector<16xi32>
      %parallel_loop3A_17 = arith.cmpi eq, %iota3A, %parallel_loop3A_16 : vector<16xi32>
      %parallel_loop3A_18 = vector.broadcast %parallel_loop3A_5 : f32 to vector<16xf32>
      %parallel_loop3A_19 = arith.select %parallel_loop3A_17, %parallel_loop3A_18, %parallel_loop3A_9 : vector<16xi1>, vector<16xf32>
      %parallel_loop3A_20 = arith.constant true
      %parallel_loop3A_21 = vector.broadcast %parallel_loop3A_20 : i1 to vector<16xi1>
      %parallel_loop3A_22 = tpu.scan <max>, %parallel_loop3A_19 masked %parallel_loop3A_21 : vector<16xf32>, vector<16xi1> -> vector<16xf32>
      %parallel_loop3A_23 = vector.extract %parallel_loop3A_22[15] : f32 from vector<16xf32>
      %parallel_loop3A_24 = vector.broadcast %parallel_loop3A_23 : f32 to vector<16xf32>
      %parallel_loop3A_25 = arith.cmpf oeq, %parallel_loop3A_19, %parallel_loop3A_24 : vector<16xf32>
      %parallel_loop3A_26 = tpu.all_reduce %parallel_loop3A_25 {dim = 0 : i64, kind = #tpu.reduction_kind<find_first_set>} : vector<16xi1> -> vector<16xi32>
      %parallel_loop3A_27 = arith.cmpi eq, %iota3A, %parallel_loop3A_16 : vector<16xi32>
      %parallel_loop3A_28 = arith.cmpi eq, %iota3A, %parallel_loop3A_26 : vector<16xi32>
      %parallel_loop3A_29 = arith.ori %parallel_loop3A_27, %parallel_loop3A_28 : vector<16xi1>
      %parallel_loop3A_30 = arith.constant 0.000000e+00 : f32
      %parallel_loop3A_31 = vector.broadcast %parallel_loop3A_30 : f32 to vector<16xf32>
      %parallel_loop3A_32 = arith.select %parallel_loop3A_29, %parallel_loop3A_9, %parallel_loop3A_31 : vector<16xi1>, vector<16xf32>
      %parallel_loop3A_33 = arith.constant 0.000000e+00 : f32
      %parallel_loop3A_34 = arith.maximumf %parallel_loop3A_13, %parallel_loop3A_33 : f32
      %parallel_loop3A_35 = vector.broadcast %parallel_loop3A_34 : f32 to vector<16xf32>
      %parallel_loop3A_36 = arith.subf %parallel_loop3A_32, %parallel_loop3A_35 : vector<16xf32>
      %parallel_loop3A_37 = math.exp %parallel_loop3A_36 : vector<16xf32>
      %parallel_loop3A_38 = arith.constant true
      %parallel_loop3A_39 = vector.broadcast %parallel_loop3A_38 : i1 to vector<16xi1>
      %parallel_loop3A_40 = tpu.scan <sum>, %parallel_loop3A_37 masked %parallel_loop3A_39 : vector<16xf32>, vector<16xi1> -> vector<16xf32>
      %parallel_loop3A_41 = vector.extract %parallel_loop3A_40[15] : f32 from vector<16xf32>
      %parallel_loop3A_42 = vector.broadcast %parallel_loop3A_41 : f32 to vector<16xf32>
      %parallel_loop3A_43 = arith.divf %parallel_loop3A_37, %parallel_loop3A_42 : vector<16xf32>
      %parallel_loop3A_44 = arith.index_cast %parallel_loop3A_6 : i32 to index
      %parallel_loop3A_45 = arith.constant 0 : index
      %parallel_loop3A_46 = tpu.vector_load %arg5[%parallel_loop3A_44, %parallel_loop3A_45] {strides = array<i32>} : memref<512x16xf32, #tpu.memory_space<vmem>>, vector<16xf32>,
      tpu.vector_store %arg5[%parallel_loop3A_44, %parallel_loop3A_45], %parallel_loop3A_43 {strides = array<i32>} : memref<512x16xf32, #tpu.memory_space<vmem>>, vector<16xf32>,
    } {sc.loop_unroll_factor = 4 : i64, sc.parallel_access}
    "tpu.region"() ({
      %run_scoped3A = tpu.sem_alloc : memref<!tpu.dma_semaphore, #tpu.memory_space<semaphore_mem>>
      %dma_start3A = arith.constant 0 : i32
      %dma_start3A_6 = tpu.memref_slice %arg3[%mul3A_2, %dma_start3A] : memref<16384x16xf32, #tpu.memory_space<hbm>> -> memref<512x16xf32, #tpu.memory_space<hbm>>
      %dma_start3A_7 = arith.constant 0 : i32
      %dma_start3A_8 = tpu.memref_slice %arg3[%mul3A_2, %dma_start3A_7] : memref<16384x16xf32, #tpu.memory_space<hbm>> -> memref<512x16xf32, #tpu.memory_space<hbm>>
      tpu.enqueue_dma source(%arg5 : memref<512x16xf32, #tpu.memory_space<vmem>>) target(%dma_start3A_8 : memref<512x16xf32, #tpu.memory_space<hbm>>) target_semaphore(%run_scoped3A : memref<!tpu.dma_semaphore, #tpu.memory_space<semaphore_mem>>)
      %dma_wait3A = arith.constant 0 : i32
      %dma_wait3A_9 = tpu.memref_slice %arg3[%mul3A_2, %dma_wait3A] : memref<16384x16xf32, #tpu.memory_space<hbm>> -> memref<512x16xf32, #tpu.memory_space<hbm>>
      %dma_wait3A_10 = arith.constant 0 : i32
      %dma_wait3A_11 = tpu.memref_slice %arg3[%mul3A_2, %dma_wait3A_10] : memref<16384x16xf32, #tpu.memory_space<hbm>> -> memref<512x16xf32, #tpu.memory_space<hbm>>
      tpu.wait_dma2 semaphore(%run_scoped3A : memref<!tpu.dma_semaphore, #tpu.memory_space<semaphore_mem>>) src(%arg5 : memref<512x16xf32, #tpu.memory_space<vmem>>) dst(%dma_wait3A_11 : memref<512x16xf32, #tpu.memory_space<hbm>>)
      tpu.yield
    }) : () -> ()
    return
  }
}

module attributes {stable_mosaic.version = 14 : i64} {
  func.func @_mm_body(%arg0: i32, %arg1: memref<16384x2048xf32, #tpu.memory_space<any>>, %arg2: memref<2048x16xf32, #tpu.memory_space<vmem>>, %arg3: memref<1x16xf32, #tpu.memory_space<vmem>>, %arg4: memref<512x16xf32, #tpu.memory_space<vmem>>, %arg5: memref<4x512x2048xf32, #tpu.memory_space<vmem>>, %arg6: memref<4x!tpu.dma_semaphore, #tpu.memory_space<semaphore_mem>>) attributes {dimension_semantics = [#tpu.dimension_semantics<arbitrary>], iteration_bounds = array<i64: 32>, scalar_prefetch = 0 : i64, scratch_operands = 2 : i64, tpu.core_type = #tpu.core_type<tc>, window_params = [{}, {pipeline_mode = #tpu.pipeline_mode<synchronous>, transform_indices = @transform_1, window_bounds = array<i64: 2048, 16>}, {pipeline_mode = #tpu.pipeline_mode<synchronous>, transform_indices = @transform_2, window_bounds = array<i64: 1, 16>}, {transform_indices = @transform_3, window_bounds = array<i64: 512, 16>}]} {
    %eq3A = arith.constant 0 : i32
    %eq3A_0 = arith.cmpi eq, %arg0, %eq3A : i32
    %convert_element_type3A = arith.extui %eq3A_0 : i1 to i32
    %cond3A = arith.constant 0 : i32
    %cond3A_1 = arith.cmpi ne, %convert_element_type3A, %cond3A : i32
    scf.if %cond3A_1 {
      %dma_start3A = arith.constant 0 : i32
      %dma_start3A_32 = arith.constant 0 : i32
      %dma_start3A_33 = tpu.memref_slice %arg6[%dma_start3A_32] : memref<4x!tpu.dma_semaphore, #tpu.memory_space<semaphore_mem>> -> memref<1x!tpu.dma_semaphore, #tpu.memory_space<semaphore_mem>>
      %dma_start3A_34 = tpu.memref_squeeze %dma_start3A_33 : memref<1x!tpu.dma_semaphore, #tpu.memory_space<semaphore_mem>> -> memref<!tpu.dma_semaphore, #tpu.memory_space<semaphore_mem>>
      %dma_start3A_35 = arith.constant 0 : i32
      %dma_start3A_36 = arith.constant 0 : i32
      %dma_start3A_37 = tpu.memref_slice %arg5[%dma_start3A, %dma_start3A_35, %dma_start3A_36] : memref<4x512x2048xf32, #tpu.memory_space<vmem>> -> memref<1x512x2048xf32, #tpu.memory_space<vmem>>
      %dma_start3A_38 = tpu.memref_squeeze %dma_start3A_37 : memref<1x512x2048xf32, #tpu.memory_space<vmem>> -> memref<512x2048xf32, #tpu.memory_space<vmem>>
      %dma_start3A_39 = arith.constant 0 : i32
      %dma_start3A_40 = arith.constant 0 : i32
      %dma_start3A_41 = tpu.memref_slice %arg1[%dma_start3A_39, %dma_start3A_40] : memref<16384x2048xf32, #tpu.memory_space<any>> -> memref<512x2048xf32, #tpu.memory_space<any>>
      tpu.enqueue_dma source(%dma_start3A_41 : memref<512x2048xf32, #tpu.memory_space<any>>) target(%dma_start3A_38 : memref<512x2048xf32, #tpu.memory_space<vmem>>) target_semaphore(%dma_start3A_34 : memref<!tpu.dma_semaphore, #tpu.memory_space<semaphore_mem>>)
      %dma_start3A_42 = arith.constant 1 : i32
      %dma_start3A_43 = arith.constant 1 : i32
      %dma_start3A_44 = tpu.memref_slice %arg6[%dma_start3A_43] : memref<4x!tpu.dma_semaphore, #tpu.memory_space<semaphore_mem>> -> memref<1x!tpu.dma_semaphore, #tpu.memory_space<semaphore_mem>>
      %dma_start3A_45 = tpu.memref_squeeze %dma_start3A_44 : memref<1x!tpu.dma_semaphore, #tpu.memory_space<semaphore_mem>> -> memref<!tpu.dma_semaphore, #tpu.memory_space<semaphore_mem>>
      %dma_start3A_46 = arith.constant 0 : i32
      %dma_start3A_47 = arith.constant 0 : i32
      %dma_start3A_48 = tpu.memref_slice %arg5[%dma_start3A_42, %dma_start3A_46, %dma_start3A_47] : memref<4x512x2048xf32, #tpu.memory_space<vmem>> -> memref<1x512x2048xf32, #tpu.memory_space<vmem>>
      %dma_start3A_49 = tpu.memref_squeeze %dma_start3A_48 : memref<1x512x2048xf32, #tpu.memory_space<vmem>> -> memref<512x2048xf32, #tpu.memory_space<vmem>>
      %dma_start3A_50 = arith.constant 512 : i32
      %dma_start3A_51 = arith.constant 0 : i32
      %dma_start3A_52 = tpu.memref_slice %arg1[%dma_start3A_50, %dma_start3A_51] : memref<16384x2048xf32, #tpu.memory_space<any>> -> memref<512x2048xf32, #tpu.memory_space<any>>
      tpu.enqueue_dma source(%dma_start3A_52 : memref<512x2048xf32, #tpu.memory_space<any>>) target(%dma_start3A_49 : memref<512x2048xf32, #tpu.memory_space<vmem>>) target_semaphore(%dma_start3A_45 : memref<!tpu.dma_semaphore, #tpu.memory_space<semaphore_mem>>)
      %dma_start3A_53 = arith.constant 2 : i32
      %dma_start3A_54 = arith.constant 2 : i32
      %dma_start3A_55 = tpu.memref_slice %arg6[%dma_start3A_54] : memref<4x!tpu.dma_semaphore, #tpu.memory_space<semaphore_mem>> -> memref<1x!tpu.dma_semaphore, #tpu.memory_space<semaphore_mem>>
      %dma_start3A_56 = tpu.memref_squeeze %dma_start3A_55 : memref<1x!tpu.dma_semaphore, #tpu.memory_space<semaphore_mem>> -> memref<!tpu.dma_semaphore, #tpu.memory_space<semaphore_mem>>
      %dma_start3A_57 = arith.constant 0 : i32
      %dma_start3A_58 = arith.constant 0 : i32
      %dma_start3A_59 = tpu.memref_slice %arg5[%dma_start3A_53, %dma_start3A_57, %dma_start3A_58] : memref<4x512x2048xf32, #tpu.memory_space<vmem>> -> memref<1x512x2048xf32, #tpu.memory_space<vmem>>
      %dma_start3A_60 = tpu.memref_squeeze %dma_start3A_59 : memref<1x512x2048xf32, #tpu.memory_space<vmem>> -> memref<512x2048xf32, #tpu.memory_space<vmem>>
      %dma_start3A_61 = arith.constant 1024 : i32
      %dma_start3A_62 = arith.constant 0 : i32
      %dma_start3A_63 = tpu.memref_slice %arg1[%dma_start3A_61, %dma_start3A_62] : memref<16384x2048xf32, #tpu.memory_space<any>> -> memref<512x2048xf32, #tpu.memory_space<any>>
      tpu.enqueue_dma source(%dma_start3A_63 : memref<512x2048xf32, #tpu.memory_space<any>>) target(%dma_start3A_60 : memref<512x2048xf32, #tpu.memory_space<vmem>>) target_semaphore(%dma_start3A_56 : memref<!tpu.dma_semaphore, #tpu.memory_space<semaphore_mem>>)
    } else {
    }
    %rem3A = arith.constant 4 : i32
    %rem3A_2 = arith.remsi %arg0, %rem3A : i32
    %mul3A = arith.constant 512 : i32
    %mul3A_3 = arith.muli %arg0, %mul3A : i32
    %dma_wait3A = tpu.memref_slice %arg6[%rem3A_2] : memref<4x!tpu.dma_semaphore, #tpu.memory_space<semaphore_mem>> -> memref<1x!tpu.dma_semaphore, #tpu.memory_space<semaphore_mem>>
    %dma_wait3A_4 = tpu.memref_squeeze %dma_wait3A : memref<1x!tpu.dma_semaphore, #tpu.memory_space<semaphore_mem>> -> memref<!tpu.dma_semaphore, #tpu.memory_space<semaphore_mem>>
    %dma_wait3A_5 = arith.constant 0 : i32
    %dma_wait3A_6 = arith.constant 0 : i32
    %dma_wait3A_7 = tpu.memref_slice %arg5[%rem3A_2, %dma_wait3A_5, %dma_wait3A_6] : memref<4x512x2048xf32, #tpu.memory_space<vmem>> -> memref<1x512x2048xf32, #tpu.memory_space<vmem>>
    %dma_wait3A_8 = tpu.memref_squeeze %dma_wait3A_7 : memref<1x512x2048xf32, #tpu.memory_space<vmem>> -> memref<512x2048xf32, #tpu.memory_space<vmem>>
    %dma_wait3A_9 = arith.constant 0 : i32
    %dma_wait3A_10 = tpu.memref_slice %arg1[%mul3A_3, %dma_wait3A_9] : memref<16384x2048xf32, #tpu.memory_space<any>> -> memref<512x2048xf32, #tpu.memory_space<any>>
    tpu.wait_dma2 semaphore(%dma_wait3A_4 : memref<!tpu.dma_semaphore, #tpu.memory_space<semaphore_mem>>) src(%dma_wait3A_10 : memref<512x2048xf32, #tpu.memory_space<any>>) dst(%dma_wait3A_8 : memref<512x2048xf32, #tpu.memory_space<vmem>>)
    %add3A = arith.constant 4 : i32
    %add3A_11 = arith.addi %arg0, %add3A : i32
    %sub3A = arith.constant 1 : i32
    %sub3A_12 = arith.subi %add3A_11, %sub3A : i32
    %lt3A = arith.constant 32 : i32
    %lt3A_13 = arith.cmpi slt, %sub3A_12, %lt3A : i32
    %convert_element_type3A_14 = arith.extui %lt3A_13 : i1 to i32
    %cond3A_15 = arith.constant 0 : i32
    %cond3A_16 = arith.cmpi ne, %convert_element_type3A_14, %cond3A_15 : i32
    scf.if %cond3A_16 {
      %rem3A_32 = arith.constant 4 : i32
      %rem3A_33 = arith.remsi %sub3A_12, %rem3A_32 : i32
      %mul3A_34 = arith.constant 512 : i32
      %mul3A_35 = arith.muli %sub3A_12, %mul3A_34 : i32
      %dma_start3A = tpu.memref_slice %arg6[%rem3A_33] : memref<4x!tpu.dma_semaphore, #tpu.memory_space<semaphore_mem>> -> memref<1x!tpu.dma_semaphore, #tpu.memory_space<semaphore_mem>>
      %dma_start3A_36 = tpu.memref_squeeze %dma_start3A : memref<1x!tpu.dma_semaphore, #tpu.memory_space<semaphore_mem>> -> memref<!tpu.dma_semaphore, #tpu.memory_space<semaphore_mem>>
      %dma_start3A_37 = arith.constant 0 : i32
      %dma_start3A_38 = arith.constant 0 : i32
      %dma_start3A_39 = tpu.memref_slice %arg5[%rem3A_33, %dma_start3A_37, %dma_start3A_38] : memref<4x512x2048xf32, #tpu.memory_space<vmem>> -> memref<1x512x2048xf32, #tpu.memory_space<vmem>>
      %dma_start3A_40 = tpu.memref_squeeze %dma_start3A_39 : memref<1x512x2048xf32, #tpu.memory_space<vmem>> -> memref<512x2048xf32, #tpu.memory_space<vmem>>
      %dma_start3A_41 = arith.constant 0 : i32
      %dma_start3A_42 = tpu.memref_slice %arg1[%mul3A_35, %dma_start3A_41] : memref<16384x2048xf32, #tpu.memory_space<any>> -> memref<512x2048xf32, #tpu.memory_space<any>>
      tpu.enqueue_dma source(%dma_start3A_42 : memref<512x2048xf32, #tpu.memory_space<any>>) target(%dma_start3A_40 : memref<512x2048xf32, #tpu.memory_space<vmem>>) target_semaphore(%dma_start3A_36 : memref<!tpu.dma_semaphore, #tpu.memory_space<semaphore_mem>>)
    } else {
    }
    %get3A = arith.index_cast %rem3A_2 : i32 to index
    %get3A_17 = arith.constant 0 : index
    %get3A_18 = arith.constant 0 : index
    %get3A_19 = vector.load %arg5[%get3A, %get3A_17, %get3A_18] : memref<4x512x2048xf32, #tpu.memory_space<vmem>>, vector<1x512x2048xf32>
    %get3A_20 = vector.shape_cast %get3A_19 : vector<1x512x2048xf32> to vector<512x2048xf32>
    %get3A_21 = arith.constant 0 : index
    %get3A_22 = arith.constant 0 : index
    %get3A_23 = vector.load %arg2[%get3A_21, %get3A_22] : memref<2048x16xf32, #tpu.memory_space<vmem>>, vector<2048x16xf32>
    %dot_general3A = arith.constant dense<0.000000e+00> : vector<512x16xf32>
    %dot_general3A_24 = tpu.matmul %get3A_20, %get3A_23, %dot_general3A {dimension_numbers = #tpu.dot_dimension_numbers<[1], [0], [0], [1], [0, 0, 1, 1], [], []>, transpose_lhs_hint = false} : vector<512x2048xf32>, vector<2048x16xf32>, vector<512x16xf32> -> vector<512x16xf32>
    %get3A_25 = arith.constant 0 : index
    %get3A_26 = arith.constant 0 : index
    %get3A_27 = vector.load %arg3[%get3A_25, %get3A_26] : memref<1x16xf32, #tpu.memory_space<vmem>>, vector<1x16xf32>
    %add3A_28 = vector.broadcast %get3A_27 : vector<1x16xf32> to vector<512x16xf32>
    %add3A_29 = arith.addf %dot_general3A_24, %add3A_28 : vector<512x16xf32>
    %swap3A = arith.constant 0 : index
    %swap3A_30 = arith.constant 0 : index
    %swap3A_31 = vector.load %arg4[%swap3A, %swap3A_30] : memref<512x16xf32, #tpu.memory_space<vmem>>, vector<512x16xf32>
    tpu.vector_store %arg4[%swap3A, %swap3A_30], %add3A_29 {strides = array<i32>} : memref<512x16xf32, #tpu.memory_space<vmem>>, vector<512x16xf32>,
    return
  }
  func.func @transform_1(%arg0: i32) -> (i32, i32) {
    %c0_i32 = arith.constant 0 : i32
    %c0_i32_0 = arith.constant 0 : i32
    %c0_i32_1 = arith.constant 0 : i32
    return %c0_i32, %c0_i32_0 : i32, i32
  }
  func.func @transform_2(%arg0: i32) -> (i32, i32) {
    %c0_i32 = arith.constant 0 : i32
    %c0_i32_0 = arith.constant 0 : i32
    %c0_i32_1 = arith.constant 0 : i32
    return %c0_i32, %c0_i32_0 : i32, i32
  }
  func.func @transform_3(%arg0: i32) -> (i32, i32) {
    %c0_i32 = arith.constant 0 : i32
    %c0_i32_0 = arith.constant 0 : i32
    return %arg0, %c0_i32 : i32, i32
  }
}

</mosaic_0001>

<sc_bundles>
// kernel: kernel.4.cloned.1.call-start
scs
__scs_entry_jumppad:
0x0: {  	(pc) =	sbr.rel $0x88, $3  }
0x1: {  	(tag) =	ssettag $0x0;
	lr =	simm.s32 $0x1  }
0x2: {  	[smem:$0x3F9E] =	sst lr;
	_ =	strace $0xD0000000  }
0x3: {  	_ = 	snop  }
0x4: {  	_ = 	snop  }
0x5: {  	_ = 	snop  }
0x6: {  	_ = 	snop  }
0x7: {  	_ = 	snop  }
__scs_overlays_trampoline_lowered:
0x8: {  	[smem:$0x3FAD] =	sst s0  }
0x9: {  	[smem:$0x3FAE] =	sst s1  }
0xa: {  	[smem:$0x3FAF] =	sst s2  }
0xb: {  	[smem:$0x3FB0] =	sst s3  }
0xc: {  	[smem:$0x3FB1] =	sst s4  }
0xd: {  	[smem:$0x3FB2] =	sst s5  }
0xe: {  	[smem:$0x3FB3] =	sst s6  }
0xf: {  	[smem:$0x3FB4] =	sst s7  }
0x10: {  	[smem:$0x3FB5] =	sst s8  }
0x11: {  	[smem:$0x3FB6] =	sst s9;
	s0 =	simm.s32 @!p0 $0x0  }
0x12: {  	s1 =	sld [smem:$0x3F9C];
	s0 =	simm.s32 @p0 $0x1  }
0x13: {  	[smem:$0x3FB7] =	sst s0;
	s0 =	simm.s32 @!p1 $0x0  }
0x14: {  	s2 =	sld [smem:$0x3F9B];
	s0 =	simm.s32 @p1 $0x1  }
0x15: {  	[smem:$0x3FB8] =	sst s0;
	s0 =	simm.s32 @!p2 $0x0  }
0x16: {  	s3 =	sld [smem:$0x3FDB];
	s0 =	simm.s32 @p2 $0x1  }
0x17: {  	s4 =	simm.s32 $0x1BF5;
	[smem:$0x3FBA] =	sst s0  }
0x18: {  	s0 =	sld [smem:$0x3F9D];
	_ =	swait.ge [sflag:s4], $0x0  }
0x19: {  	s7 =	sld [smem:$0x3F9E]  }
0x1a: {  	s8 =	sadd.s32 $0xFFFFE003, lr  }
0x1b: {  	s9 =	sadd.s32 $0xFFFFFEF7, lr;
	s5 =	simm.s32 $0xFFFFFFFF;
	p2 =	slt.u32 s8, $0xFFFFF086  }
0x1c: {  	p1 =	slt.u32 s9, $0xF7A;
	s5 =	simm.s32 @!p2 $0x0  }
0x1d: {  	s5 =	simm.s32 @p1 $0x1;
	p0 =	seq.s32 s7, s2  }
0x1e: {  	s7 =	smul.u32 @!p0 $0xF7A, s2;
	p2 =	seq.s32 @!p0 s5, $0x0  }
0x1f: {  	s9 =	smul.u32 $0xF7A, s1;
	s8 =	simm.s32 @!p0 $0x1BF5;
	p2 =	por !p2, p0  }
0x20: {  	[sflag:s8] =	ssyncset.s32 @!p0 $0xFFFFF086;
	s6 =	sadd.s32 @!p0 s3, s7;
	s7 =	simm.s32 @!p0 $0x108  }
0x21: {  	s3 =	sadd.s32 s3, s9;
	s6 =	sadd.s32 @!p0 $0x88, s6;
	s7 =	simm.s32 @p2 $0x1082  }
0x22: {  	[simem:s7], [sflag:s8] =	dma.local @!p0 [hbm:s6], $0xF7A  }
0x23: {  	s9 =	sor.u32 $0xD0000000, s2;
	s6 =	simm.s32 $0x108;
	_ =	swait.ge @!p0 [sflag:s8], $0x0  }
0x24: {  	s3 =	sadd.s32 $0x88, s3;
	s6 =	simm.s32 @!p1 $0x1082;
	[sflag:s4] =	ssyncset.s32 $0xFFFFF086  }
0x25: {  	[simem:s6], [sflag:s4] =	dma.local [hbm:s3], $0xF7A  }
0x26: {  	[smem:$0x3F9E] =	sst s1;
	(tag) =	ssettag s2;
	_ =	strace s9  }
0x27: {  	s1 =	sld [smem:$0x3FAE]  }
0x28: {  	s2 =	sld [smem:$0x3FAF]  }
0x29: {  	s4 =	sld [smem:$0x3FB1]  }
0x2a: {  	p0 =	seq.s32 s5, $0x0;
	s5 =	sld [smem:$0x3FB2]  }
0x2b: {  	s6 =	sld [smem:$0x3FB3]  }
0x2c: {  	s7 =	sld [smem:$0x3FB4]  }
0x2d: {  	s3 =	simm.s32 $0x108;
	s8 =	sld [smem:$0x3FB5]  }
0x2e: {  	s3 =	simm.s32 @!p0 $0x1082;
	s9 =	sld [smem:$0x3FB6]  }
0x2f: {  	lr =	sadd.s32 s0, s3;
	s0 =	sld [smem:$0x3FAD]  }
0x30: {  	s3 =	sld [smem:$0x3FB0]  }
0x31: {  	[smem:$0x3FB9] =	sst s10  }
0x32: {  	s10 =	sld [smem:$0x3FB7];
	_ =	sdelay $0x3  }
0x33: {  	p0 =	seq.s32 s10, $0x1;
	s10 =	sld [smem:$0x3FB9];
	_ =	sdelay $0x3  }
0x34: {  	[smem:$0x3FB9] =	sst s10  }
0x35: {  	s10 =	sld [smem:$0x3FB8];
	_ =	sdelay $0x3  }
0x36: {  	p1 =	seq.s32 s10, $0x1;
	s10 =	sld [smem:$0x3FB9];
	_ =	sdelay $0x3  }
0x37: {  	[smem:$0x3FB9] =	sst s10  }
0x38: {  	s10 =	sld [smem:$0x3FBA]  }
0x39: {  	_ = 	snop;
	(pc) =	sbr.ind lr, $3  }
0x3a: {  	_ = 	snop  }
0x3b: {  	_ = 	snop  }
0x3c: {  	p2 =	seq.s32 s10, $0x1;
	s10 =	sld [smem:$0x3FB9]  }
0x3d: {  	_ =	shalt  }
0x3e: {  	_ =	shalt  }
0x3f: {  	_ =	shalt  }
0x40: {  	_ =	shalt  }
0x41: {  	_ =	shalt  }
0x42: {  	_ =	shalt  }
0x43: {  	_ =	shalt  }
0x44: {  	_ =	shalt  }
0x45: {  	_ =	shalt  }
0x46: {  	_ =	shalt  }
0x47: {  	_ =	shalt  }
0x48: {  	_ =	shalt  }
0x49: {  	_ =	shalt  }
0x4a: {  	_ =	shalt  }
0x4b: {  	_ =	shalt  }
0x4c: {  	_ =	shalt  }
0x4d: {  	_ =	shalt  }
0x4e: {  	_ =	shalt  }
0x4f: {  	_ =	shalt  }
0x50: {  	_ =	shalt  }
0x51: {  	_ =	shalt  }
0x52: {  	_ =	shalt  }
0x53: {  	_ =	shalt  }
0x54: {  	_ =	shalt  }
0x55: {  	_ =	shalt  }
0x56: {  	_ =	shalt  }
0x57: {  	_ =	shalt  }
0x58: {  	_ =	shalt  }
0x59: {  	_ =	shalt  }
0x5a: {  	_ =	shalt  }
0x5b: {  	_ =	shalt  }
0x5c: {  	_ =	shalt  }
0x5d: {  	_ =	shalt  }
0x5e: {  	_ =	shalt  }
0x5f: {  	_ =	shalt  }
0x60: {  	_ =	shalt  }
0x61: {  	_ =	shalt  }
0x62: {  	_ =	shalt  }
0x63: {  	_ =	shalt  }
0x64: {  	_ =	shalt  }
0x65: {  	_ =	shalt  }
0x66: {  	_ =	shalt  }
0x67: {  	_ =	shalt  }
0x68: {  	_ =	shalt  }
0x69: {  	_ =	shalt  }
0x6a: {  	_ =	shalt  }
0x6b: {  	_ =	shalt  }
0x6c: {  	_ =	shalt  }
0x6d: {  	_ =	shalt  }
0x6e: {  	_ =	shalt  }
0x6f: {  	_ =	shalt  }
0x70: {  	_ =	shalt  }
0x71: {  	_ =	shalt  }
0x72: {  	_ =	shalt  }
0x73: {  	_ =	shalt  }
0x74: {  	_ =	shalt  }
0x75: {  	_ =	shalt  }
0x76: {  	_ =	shalt  }
0x77: {  	_ =	shalt  }
0x78: {  	_ =	shalt  }
0x79: {  	_ =	shalt  }
0x7a: {  	_ =	shalt  }
0x7b: {  	_ =	shalt  }
0x7c: {  	_ =	shalt  }
0x7d: {  	_ =	shalt  }
0x7e: {  	_ =	shalt  }
0x7f: {  	_ =	shalt  }
0x80: {  	_ =	shalt  }
0x81: {  	_ =	shalt  }
0x82: {  	_ =	shalt  }
0x83: {  	_ =	shalt  }
0x84: {  	_ =	shalt  }
0x85: {  	_ =	shalt  }
0x86: {  	_ =	shalt  }
0x87: {  	_ =	shalt  }
.Lfunc_end0:
.L_simem_size_0:
called_computation_lowered:
.L_overlay_start_0:
0x88: {  	s2 =	sld [smem:$0x3FD9]  }
0x89: {  	s3 =	sld [smem:$0x3FFE];
	_ =	sdelay $0x1  }
0x8a: {  	s1 =	srdreg.scid  }
0x8b: {  	s0 =	sand.u32 $0x1, s1  }
0x8c: {  	s16 =	sshll.u32 s0, $0xA;
	s2 =	sadd.s32 s3, s2  }
0x8d: {  	s2 =	sadd.s32 s2, s16  }
0x8e: {  	[smem:$0x3FC5] =	sst s2  }
0x8f: {  	_ = 	snop  }
0x90: {  	(tm) =	ssettm $0x1  }
0x91: {  	s17 =	sld [smem:$0x3FFB];
	_ =	sdelay $0x3  }
0x92: {  	_ =	strace s17  }
0x93: {  	s2 =	sld [smem:$0x3FFC];
	_ =	sdelay $0x3  }
0x94: {  	_ =	strace s2  }
0x95: {  	s2 =	sld [smem:$0x3FFD];
	_ =	sdelay $0x3  }
0x96: {  	_ =	strace s2  }
0x97: {  	_ =	strace $0x8FFFFFFF  }
0x98: {  	s18 =	sld [smem:$0x3FDB];
	_ =	sdelay $0x1  }
0x99: {  	s19 =	simm.s32 $_scs_section_size  }
0x9a: {  	s4 =	simm.s32 $_size__tile_overlayer_lowered;
	s5 =	simm.s32 $_tile_overlayer_lowered  }
0x9b: {  	s22 =	simm.s32 $0x1BFF;
	s21 =	sshll.u32 s5, $0x1;
	s2 =	sadd.s32 s19, s18  }
0x9c: {  	s6 =	simm.s32 $0x0;
	s20 =	sshll.u32 s4, $0x1;
	s4 =	sadd.s32 s21, s2  }
0x9d: {  	[timem:s6], [sflag:s22] =	dma.local [hbm:s4], s20  }
0x9e: {  	_ =	swait.ge [sflag:s22], s20  }
0x9f: {  	s3 =	ssub.s32 $0x0, s20;
	[sflag:s22] =	ssyncset.done $0x0  }
0xa0: {  	[sflag:s22] =	ssyncadd.s32 s3;
	_ =	sdelay $0x1  }
0xa1: {  	s23 =	simm.s32 $0x1B8B  }
0xa2: {  	_ =	swait.ge [sflag:s23], $0x1  }
0xa3: {  	[sflag:s23] =	ssyncset.done $0x0  }
0xa4: {  	s25 =	simm.s32 $0x1B8E;
	s24 =	sld [smem:$0x3FFE];
	[sflag:s23] =	ssyncadd.s32 $0xFFFFFFFF  }
0xa5: {  	s26 =	simm.s32 $execute0_lowered;
	[smem:$0x3FD2] =	sst s25  }
0xa6: {  	s4 =	sshll.u32 s26, $0x1;
	_ =	strace $0x80000046;
	[dreg:$0x1] =	wrdreg $0xFFFFFFFF  }
0xa7: {  	s28 =	simm.s32 $_size_execute0_lowered;
	s2 =	sadd.s32 s2, s4;
	[dreg:$0x0] =	wrdreg $0x0  }
0xa8: {  	s4 =	sshll.u32 s28, $0x1;
	[dreg:$0x2] =	wrdreg s2  }
0xa9: {  	[dreg:$0x3] =	wrdreg s4  }
0xaa: {  	[dreg:$0x4] =	wrdreg $0xC0  }
0xab: {  	_ =	task [dreg:s6], $0x5FFFF  }
0xac: {  	[dreg:$0x1] =	wrdreg $0xFFFFFFFF  }
0xad: {  	[dreg:$0x0] =	wrdreg $0x60  }
0xae: {  	[dreg:$0x2] =	wrdreg s24  }
0xaf: {  	[dreg:$0x3] =	wrdreg $0x9  }
0xb0: {  	_ =	task.clear_ibuf [dreg:s6], $0x4FFFF;
	_ =	strace $0x90000046  }
0xb1: {  	s29 =	simm.s32 $0x9;
	_ =	strace $0x80000048  }
0xb2: {  	_ =	swait.ge [sflag:s29], $0x1  }
0xb3: {  	[sflag:s29] =	ssyncadd.s32 $0xFFFFFFFF  }
0xb4: {  	_ =	strace $0x90000048  }
0xb5: {  	_ =	sfence  }
0xb6: {  	s30 =	sld [smem:$0x0];
	_ =	sdelay $0x2  }
0xb7: {  	s31 =	sshll.u32 s1, $0xD;
	s1 =	sshrl.u32 s1, $0x2  }
0xb8: {  	s3 =	sand.u32 $0x4000, s31;
	s1 =	sadd.s32 s1, s30  }
0xb9: {  	s0 =	sor.u32 s3, s0;
	s1 =	sshll.u32 s1, $0x11  }
0xba: {  	s0 =	sor.u32 s1, s0  }
0xbb: {  	s0 =	sadd.s32 $0x8F2B, s0  }
0xbc: {  	[sflag:s0] =	ssyncadd.remote.s32 $0x1  }
0xbd: {  	_ =	sfence.sel $0xFFFF  }
0xbe: {  	[dreg:$0x0] =	wrdreg $0xFFFFFFFF;
	(pc) =	sbr.abs _section_cstart, $3  }
0xbf: {  	[dreg:$0x1] =	wrdreg $0xFFFFFFFF  }
0xc0: {  	_ =	task.clear_ibuf [dreg:s6], $0x2FFFF;
	_ =	strace $0x9FFFFFFF  }
0xc1: {  	(tm) =	ssettm $0x7FFFFFFF  }
tec
execute0_lowered:
.L_overlay_start_1:
0x0: {  	(tag) =	ssettag $0x1  }
0x1: {  	s3 =	rddreg [dreg:$0x0]  }
0x2: {  	s0 =	rddreg [dreg:$0x1];
	s4 =	srdreg.scid  }
0x3: {  	s2 =	simm.s32 $0x0;
	s1 =	stileid.u32;
	s4 =	sand.u32 $0x1, s4  }
0x4: {  	s7 =	simm.s32 $0x10000;
	s5 =	sshll.u32 s1, $0xE;
	s6 =	sshll.u32 s4, $0xD  }
0x5: {  	s8 =	simm.s32 $0x0;
	s4 =	ssub.s32 $0x2, s4;
	s5 =	sor.u32 s6, s5  }
0x6: {  	[smem:$0x7FF] =	sst s2;
	s31 =	sshrl.u32 s4, $0x1;
	s5 =	sadd.s32 s5, s3  }
0x7: {  	_ =	strace $0x80000047;
	s6 =	ssub.s32 s4, s31;
	s3 =	sadd.s32 $0x800, s5  }
0x8: {  	v0 =	vlaneseq.u32;
	s4 =	sadd.s32 $0x40800, s5;
	s5 =	smax.u32 s6, $0x1;
	s6 =	simm.s32 $0x1  }
.LBB2_1:
0x9: {  	[tilespmem:s2], [sflag:$0x1] =	stream.linear.gather [hbm4b:s3+s2], $0x10000, $0x38;
	v63 =	vld [tilespmem:$0x0]  }
0xa: {  	_ =	swait.ge [sflag:s6], $0x10000  }
0xb: {  	[sflag:s6] =	ssyncset.done $0x0  }
0xc: {  	s9 =	simm.s32 $0x100;
	[sflag:s6] =	ssyncadd.s32 $0xFFFF0000  }
0xd: {  	v1 =	vld [tilespmem:s9+$0x80];
	_ =	sdelay $0x2  }
0xe: {  	v2 =	vld [tilespmem:s9+$0xFFFFFF80]  }
0xf: {  	v3 =	vld [tilespmem:s9+$0x0]  }
0x10: {  	(xrf0) =	vmax.scan.msk.f32 $0xffff, v1;
	_ =	sdelay $0x2  }
0x11: {  	(xrf0) =	vmax.scan.msk.f32 $0xffff, v2  }
0x12: {  	v4 =	vld [tilespmem:s9+$0xFFFFFF00];
	(xrf0) =	vmax.scan.msk.f32 $0xffff, v3;
	_ =	sdelay $0x1  }
0x13: {  	v5, _, _ =	vpop (xrf0)  }
0x14: {  	v6 =	vbroadcast v5, $0xF;
	_ =	sdelay $0x1  }
0x15: {  	v7, _, _ =	vpop (xrf0);
	(xrf0) =	vmax.scan.msk.f32 $0xffff, v4;
	vm0 =	veq.f32 v1, v6  }
0x16: {  	(v2sf) =	vpush v7, $0xF;
	v8, _, _ =	vpop (xrf0);
	v6 =	vmctz.xlane vm0  }
0x17: {  	(v2sf) =	vpush v8, $0xF  }
0x18: {  	(v2sf) =	vpush v5, $0xF;
	vm3 =	veq.s32 v6, v0  }
0x19: {  	v6 =	vbroadcast v7, $0xF;
	v7 =	vbroadcast v8, $0xF;
	v5 =	vsel vm3, $0xFF800000, v1  }
0x1a: {  	(xrf0) =	vmax.scan.msk.f32 $0xffff, v5  }
0x1b: {  	v8, _, _ =	vpop (xrf0);
	vm0 =	veq.f32 v2, v6;
	vm1 =	veq.f32 v3, v7  }
0x1c: {  	v6 =	vbroadcast v8, $0xF;
	(v2sf) =	vpush v8, $0xF;
	v8 =	vmctz.xlane vm1;
	_ =	sdelay $0x1  }
0x1d: {  	v7 =	vmctz.xlane vm0;
	vm0 =	veq.f32 v4, v6  }
0x1e: {  	v6 =	vmctz.xlane vm0  }
0x1f: {  	vm0 =	veq.s32 v7, v0;
	vm1 =	veq.s32 v8, v0;
	v8, _, _ =	vpop (xrf0)  }
0x20: {  	v7 =	vsel vm0, $0xFF800000, v2;
	vm2 =	veq.s32 v6, v0;
	v6 =	vbroadcast v8, $0xF  }
0x21: {  	v11 =	vsel vm1, $0xFF800000, v3;
	(xrf0) =	vmax.scan.msk.f32 $0xffff, v7  }
0x22: {  	v12 =	vsel vm2, $0xFF800000, v4;
	(xrf0) =	vmax.scan.msk.f32 $0xffff, v11;
	vm4 =	veq.f32 v5, v6  }
0x23: {  	(xrf0) =	vmax.scan.msk.f32 $0xffff, v12;
	v5 =	vmctz.xlane vm4  }
0x24: {  	s10 =	simm.s32 $0x300  }
0x25: {  	v13 =	vld [tilespmem:s10+$0x80];
	s11 =	spop (v2sf)  }
0x26: {  	v9 =	vld [tilespmem:s10+$0xFFFFFF80];
	s21 =	spop (v2sf)  }
0x27: {  	s12 =	spop (v2sf);
	vm4 =	veq.s32 v5, v0;
	v5, _, _ =	vpop (xrf0)  }
0x28: {  	s22 =	smax.f32 s12, $0.0e+00;
	vm3 =	vmor vm3, vm4;
	v6, _, _ =	vpop (xrf0)  }
0x29: {  	v8 =	vld [tilespmem:s10+$0x0];
	v14 =	vmov s22;
	v1 =	vnsel vm3, $0x0, v1;
	v15, _, _ =	vpop (xrf0)  }
0x2a: {  	(xrf0) =	vmax.scan.msk.f32 $0xffff, v13;
	v5 =	vbroadcast v5, $0xF;
	v1 =	vsub.f32 v1, v14;
	v14 =	vbroadcast v15, $0xF  }
0x2b: {  	v10 =	vld [tilespmem:s10+$0xFFFFFF00];
	(xrf0) =	vmax.scan.msk.f32 $0xffff, v9;
	v6 =	vbroadcast v6, $0xF  }
0x2c: {  	vm3 =	veq.f32 v7, v5;
	vm4 =	veq.f32 v12, v14  }
0x2d: {  	v5 =	vmctz.xlane vm3;
	vm3 =	veq.f32 v11, v6;
	v6 =	vmctz.xlane vm4  }
0x2e: {  	(xrf0) =	vmax.scan.msk.f32 $0xffff, v8;
	s23 =	spop (v2sf);
	v1 =	vmul.f32 $1.442695020e+00, v1  }
0x2f: {  	s10 =	smax.f32 s23, $0.0e+00  }
0x30: {  	(xrf0) =	vmax.scan.msk.f32 $0xffff, v10;
	v11 =	vmov s10;
	(erf) = vpow2.f32 v1;
	v7 =	vmctz.xlane vm3;
	v12, _, _ =	vpop (xrf0)  }
0x31: {  	vm4 =	veq.s32 v5, v0;
	v5 =	vbroadcast v12, $0xF;
	vm3 =	veq.s32 v6, v0;
	v6, _, _ =	vpop (xrf0)  }
0x32: {  	s11 =	smax.f32 s11, $0.0e+00;
	vm5 =	veq.s32 v7, v0;
	vm4 =	vmor vm0, vm4;
	v7 =	vbroadcast v6, $0xF  }
0x33: {  	v1 =	vmov s11;
	vm5 =	vmor vm1, vm5;
	v2 =	vnsel vm4, $0x0, v2  }
0x34: {  	vm2 =	vmor vm2, vm3;
	vm3 =	veq.f32 v13, v5;
	v14, _, _ =	vpop (xrf0);
	(v2sf) =	vpush v6, $0xF  }
0x35: {  	v1 =	vsub.f32 v2, v1;
	v6 =	vbroadcast v14, $0xF;
	(v2sf) =	vpush v14, $0xF  }
0x36: {  	v5 =	vmctz.xlane vm3;
	vm6 =	veq.f32 v9, v7;
	(v2sf) =	vpush v12, $0xF;
	v7, _, _ =	vpop (xrf0)  }
0x37: {  	vm3 =	veq.f32 v8, v6;
	v6 =	vmctz.xlane vm6;
	v14 =	vbroadcast v7, $0xF  }
0x38: {  	v4 =	vnsel vm2, $0x0, v4;
	v12 =	vmctz.xlane vm3;
	vm3 =	veq.s32 v5, v0  }
0x39: {  	v4 =	vsub.f32 v4, v11;
	v5 =	vsel vm3, $0xFF800000, v13;
	vm0 =	veq.s32 v6, v0  }
0x3a: {  	(xrf0) =	vmax.scan.msk.f32 $0xffff, v5;
	vm1 =	veq.s32 v12, v0;
	v12 =	vsel vm0, $0xFF800000, v9;
	vm14 =	veq.f32 v10, v14  }
0x3b: {  	s9 =	smax.f32 s21, $0.0e+00;
	v2 =	vnsel vm5, $0x0, v3;
	(v2sf) =	vpush v7, $0xF;
	(xrf0) =	vmax.scan.msk.f32 $0xffff, v12;
	v7 =	vmctz.xlane vm14;
	v14 =	vpop (erf)  }
0x3c: {  	v3 =	vmul.f32 $1.442695020e+00, v4;
	v6 =	vmov s9;
	v15 =	vsel vm1, $0xFF800000, v8;
	(xrf2) =	vadd.scan.msk.f32 $0xffff, v14  }
0x3d: {  	v2 =	vsub.f32 v2, v6;
	(xrf0) =	vmax.scan.msk.f32 $0xffff, v15;
	vm2 =	veq.s32 v7, v0  }
0x3e: {  	v11 =	vsel vm2, $0xFF800000, v10  }
0x3f: {  	v1 =	vmul.f32 $1.442695020e+00, v1;
	v2 =	vmul.f32 $1.442695020e+00, v2;
	(xrf0) =	vmax.scan.msk.f32 $0xffff, v11  }
0x40: {  	(erf) = vpow2.f32 v3;
	v3, _, _ =	vpop (xrf0)  }
0x41: {  	s24 =	simm.s32 $0x500;
	(erf) = vpow2.f32 v1;
	v1 =	vbroadcast v3, $0xF  }
0x42: {  	v7 =	vld [tilespmem:s24+$0x80];
	v4, _, _ =	vpop (xrf0)  }
0x43: {  	(erf) = vpow2.f32 v2;
	v2, _, _ =	vpop (xrf0);
	v4 =	vbroadcast v4, $0xF;
	vm4 =	veq.f32 v5, v1  }
0x44: {  	s25 =	spop (v2sf);
	v1 =	vbroadcast v2, $0xF;
	v16 =	vmctz.xlane vm4  }
0x45: {  	v3 =	vld [tilespmem:s24+$0xFFFFFF80];
	s26 =	spop (v2sf);
	vm4 =	veq.f32 v12, v4;
	v2, _, _ =	vpop (xrf0)  }
0x46: {  	v6 =	vld [tilespmem:s24+$0x0];
	vm5 =	veq.f32 v15, v1;
	s28 =	spop (v2sf);
	vm15 =	veq.s32 v16, v0;
	v2 =	vbroadcast v2, $0xF;
	v5, _, _ =	vpop (xrf2)  }
0x47: {  	(xrf0) =	vmax.scan.msk.f32 $0xffff, v7;
	s9 =	smax.f32 s28, $0.0e+00;
	v15 =	vmctz.xlane vm5;
	vm3 =	vmor vm3, vm15;
	v4 =	vbroadcast v5, $0xF  }
0x48: {  	v1 =	vnsel vm3, $0x0, v13;
	v5 =	vld [tilespmem:s24+$0xFFFFFF00];
	vm7 =	veq.f32 v11, v2;
	v11 =	vmov s9  }
0x49: {  	v13 =	vmctz.xlane vm7;
	v11 =	vsub.f32 v1, v11;
	(erf) = vrcp.f32 v4  }
0x4a: {  	s10 =	smax.f32 s25, $0.0e+00;
	(xrf0) =	vmax.scan.msk.f32 $0xffff, v3;
	s29 =	spop (v2sf);
	vm5 =	veq.s32 v15, v0;
	v2 =	vmctz.xlane vm4  }
0x4b: {  	v12 =	vmov s10;
	s31 =	smax.f32 s26, $0.0e+00;
	(xrf0) =	vmax.scan.msk.f32 $0xffff, v6;
	s30 =	smax.f32 s29, $0.0e+00;
	vm1 =	vmor vm1, vm5;
	v11 =	vmul.f32 $1.442695020e+00, v11;
	v4 =	vpop (erf)  }
0x4c: {  	v17 =	vmov s31;
	v57 =	vmov s30;
	v8 =	vnsel vm1, $0x0, v8;
	v1 =	vpop (erf);
	(xrf2) =	vadd.scan.msk.f32 $0xffff, v4  }
0x4d: {  	vm3 =	veq.s32 v2, v0;
	vm4 =	veq.s32 v13, v0;
	(xrf0) =	vmax.scan.msk.f32 $0xffff, v5;
	v13, _, _ =	vpop (xrf0);
	(erf) = vpow2.f32 v11  }
0x4e: {  	vm0 =	vmor vm0, vm3;
	vm2 =	vmor vm2, vm4;
	v2 =	vpop (erf);
	(xrf2) =	vadd.scan.msk.f32 $0xffff, v1;
	v11 =	vbroadcast v13, $0xF  }
0x4f: {  	v17 =	vsub.f32 v8, v17;
	v9 =	vnsel vm0, $0x0, v9;
	v10 =	vnsel vm2, $0x0, v10;
	(xrf2) =	vadd.scan.msk.f32 $0xffff, v2  }
0x50: {  	v12 =	vsub.f32 v9, v12;
	v15, _, _ =	vpop (xrf0);
	v10 =	vsub.f32 v10, v57;
	vm0 =	veq.f32 v7, v11  }
0x51: {  	v58 =	vbroadcast v15, $0xF;
	v8, _, _ =	vpop (xrf0);
	(v2sf) =	vpush v15, $0xF;
	v11 =	vmctz.xlane vm0  }
0x52: {  	v12 =	vmul.f32 $1.442695020e+00, v12;
	v15 =	vbroadcast v8, $0xF;
	(v2sf) =	vpush v8, $0xF;
	v9 =	vpop (erf)  }
0x53: {  	vm1 =	veq.f32 v3, v58;
	(v2sf) =	vpush v13, $0xF;
	v59, _, _ =	vpop (xrf0);
	vm3 =	veq.s32 v11, v0  }
0x54: {  	v14 =	vmul.f32 v9, v14;
	v9 =	vbroadcast v59, $0xF;
	v11 =	vsel vm3, $0xFF800000, v7  }
0x55: {  	v10 =	vmul.f32 $1.442695020e+00, v10;
	v18 =	vmctz.xlane vm1;
	vm1 =	veq.f32 v6, v15;
	(xrf0) =	vmax.scan.msk.f32 $0xffff, v11  }
0x56: {  	v15 =	vmctz.xlane vm1;
	(v2sf) =	vpush v59, $0xF;
	vm1 =	veq.f32 v5, v9;
	v8 =	vpop (erf)  }
0x57: {  	v13 =	vmul.f32 $1.442695020e+00, v17;
	vm0 =	veq.s32 v18, v0;
	v60, _, _ =	vpop (xrf2);
	v19 =	vmctz.xlane vm1  }
0x58: {  	(erf) = vpow2.f32 v10;
	v9 =	vsel vm0, $0xFF800000, v3;
	vm1 =	veq.s32 v15, v0;
	(xrf2) =	vadd.scan.msk.f32 $0xffff, v8;
	v61, _, _ =	vpop (xrf2)  }
0x59: {  	(erf) = vpow2.f32 v12;
	(xrf0) =	vmax.scan.msk.f32 $0xffff, v9;
	v10 =	vsel vm1, $0xFF800000, v6;
	v12, _, _ =	vpop (xrf2);
	vm2 =	veq.s32 v19, v0  }
0x5a: {  	(xrf0) =	vmax.scan.msk.f32 $0xffff, v10;
	v62 =	vbroadcast v12, $0xF;
	v12 =	vsel vm2, $0xFF800000, v5  }
0x5b: {  	(erf) = vpow2.f32 v13;
	v15 =	vbroadcast v60, $0xF;
	v13, _, _ =	vpop (xrf0);
	(xrf0) =	vmax.scan.msk.f32 $0xffff, v12  }
0x5c: {  	v17 =	vbroadcast v61, $0xF  }
0x5d: {  	(erf) = vrcp.f32 v15  }
0x5e: {  	s9 =	simm.s32 $0x10100;
	(erf) = vrcp.f32 v17;
	v13 =	vbroadcast v13, $0xF  }
0x5f: {  	s12 =	simm.s32 $0x700;
	s11 =	simm.s32 $0x8;
	s10 =	simm.s32 $0x10100;
	[tilespmem:s9+$0x80] =	vst v14;
	(erf) = vrcp.f32 v62;
	v14, _, _ =	vpop (xrf0)  }
.LBB2_2:
0x60: {  	v15 =	vld [tilespmem:s12+$0x80];
	s11 =	sadd.s32 $0x4, s11;
	v19 =	vbroadcast v14, $0xF;
	vm4 =	veq.f32 v11, v13;
	s13 =	spop (v2sf);
	v11, _, _ =	vpop (xrf0)  }
0x61: {  	v13 =	vld [tilespmem:s12+$0xFFFFFF80];
	p0 =	slt.u32 s11, $0x1FC;
	s13 =	smax.f32 s13, $0.0e+00;
	v20 =	vbroadcast v11, $0xF;
	v16 =	vmctz.xlane vm4;
	v17, _, _ =	vpop (xrf0);
	s14 =	spop (v2sf)  }
0x62: {  	v18 =	vld [tilespmem:s12+$0x0];
	v21 =	vbroadcast v17, $0xF;
	vm4 =	veq.f32 v9, v19;
	v9 =	vmov s13;
	s13 =	smax.f32 s14, $0.0e+00;
	v14, _, _ =	vpop (xrf2)  }
0x63: {  	v19 =	vld [tilespmem:s12+$0xFFFFFF00];
	vm5 =	veq.f32 v10, v20;
	vm6 =	veq.s32 v16, v0;
	s14 =	spop (v2sf);
	v10 =	vbroadcast v14, $0xF;
	v11 =	vpop (erf)  }
0x64: {  	vm7 =	veq.f32 v12, v21;
	v12 =	vmctz.xlane vm4;
	vm3 =	vmor vm3, vm6;
	s14 =	smax.f32 s14, $0.0e+00;
	v14 =	vpop (erf)  }
0x65: {  	(xrf0) =	vmax.scan.msk.f32 $0xffff, v15;
	v7 =	vnsel vm3, $0x0, v7;
	v21 =	vmov s14;
	s14 =	spop (v2sf);
	v17 =	vpop (erf);
	(erf) = vrcp.f32 v10  }
0x66: {  	v23 =	vmctz.xlane vm5;
	v10 =	vmctz.xlane vm7;
	(xrf0) =	vmax.scan.msk.f32 $0xffff, v13;
	s14 =	smax.f32 s14, $0.0e+00;
	v24 =	vsub.f32 v7, v21;
	v16 =	vpop (erf)  }
0x67: {  	vm3 =	veq.s32 v12, v0;
	v12 =	vmov s13;
	(xrf0) =	vmax.scan.msk.f32 $0xffff, v18;
	v21 =	vmov s14;
	v22 =	vpop (erf)  }
0x68: {  	vm5 =	veq.s32 v23, v0;
	vm4 =	veq.s32 v10, v0;
	v24 =	vmul.f32 $1.442695020e+00, v24;
	(xrf2) =	vadd.scan.msk.f32 $0xffff, v11;
	v20 =	vpop (erf)  }
0x69: {  	vm0 =	vmor vm0, vm3;
	vm1 =	vmor vm1, vm5;
	vm2 =	vmor vm2, vm4;
	v7 =	vmovc v15;
	(xrf0) =	vmax.scan.msk.f32 $0xffff, v19  }
0x6a: {  	v23 =	vnsel vm0, $0x0, v3;
	v3 =	vmovc v13;
	v15 =	vnsel vm2, $0x0, v5;
	v5 =	vmovc v19;
	(erf) = vpow2.f32 v24  }
0x6b: {  	v6 =	vnsel vm1, $0x0, v6;
	v13 =	vsub.f32 v15, v21;
	v15 =	vsub.f32 v23, v9;
	v10, _, _ =	vpop (xrf0);
	(xrf2) =	vadd.scan.msk.f32 $0xffff, v14  }
0x6c: {  	v4 =	vmul.f32 v16, v4;
	v12 =	vsub.f32 v6, v12;
	v24 =	vbroadcast v10, $0xF;
	v19, _, _ =	vpop (xrf0)  }
0x6d: {  	v13 =	vmul.f32 $1.442695020e+00, v13;
	v23 =	vbroadcast v19, $0xF;
	(v2sf) =	vpush v19, $0xF;
	v16, _, _ =	vpop (xrf0)  }
0x6e: {  	v19 =	vbroadcast v16, $0xF;
	vm0 =	veq.f32 v7, v24;
	(v2sf) =	vpush v16, $0xF;
	(xrf2) =	vadd.scan.msk.f32 $0xffff, v17;
	v9 =	vpop (erf)  }
0x6f: {  	vm1 =	veq.f32 v3, v23;
	v23 =	vmctz.xlane vm0;
	v21, _, _ =	vpop (xrf0);
	v8 =	vmul.f32 v9, v8;
	[tilespmem:s9+$0xFFFFFF00] =	vst v4  }
0x70: {  	v6 =	vmovc v18;
	s9 =	sadd.s32 $0x200, s9;
	v4 =	vmovc v11;
	v9 =	vbroadcast v21, $0xF;
	vm0 =	veq.f32 v18, v19;
	(v2sf) =	vpush v10, $0xF  }
0x71: {  	v10 =	vmctz.xlane vm1;
	v18 =	vmctz.xlane vm0;
	vm3 =	veq.s32 v23, v0;
	[tilespmem:s9+$0x80] =	vst v8  }
0x72: {  	vm0 =	veq.f32 v5, v9;
	v11 =	vsel vm3, $0xFF800000, v7;
	(v2sf) =	vpush v21, $0xF;
	v16, _, _ =	vpop (xrf2)  }
0x73: {  	v21 =	vmctz.xlane vm0;
	vm0 =	veq.s32 v10, v0;
	vm1 =	veq.s32 v18, v0;
	(xrf0) =	vmax.scan.msk.f32 $0xffff, v11;
	v8 =	vpop (erf)  }
0x74: {  	v15 =	vmul.f32 $1.442695020e+00, v15;
	v9 =	vsel vm0, $0xFF800000, v3;
	v10 =	vsel vm1, $0xFF800000, v6;
	(xrf2) =	vadd.scan.msk.f32 $0xffff, v8  }
0x75: {  	v18 =	vmul.f32 $1.442695020e+00, v12;
	v16 =	vbroadcast v16, $0xF;
	vm2 =	veq.s32 v21, v0;
	(xrf0) =	vmax.scan.msk.f32 $0xffff, v9;
	v19, _, _ =	vpop (xrf2)  }
0x76: {  	v12 =	vsel vm2, $0xFF800000, v5;
	(xrf0) =	vmax.scan.msk.f32 $0xffff, v10;
	(erf) = vpow2.f32 v13;
	v19 =	vbroadcast v19, $0xF  }
.Ltmp0:
0x77: {  	v13 =	vmul.f32 v22, v1;
	v1 =	vmovc v14;
	(xrf0) =	vmax.scan.msk.f32 $0xffff, v12;
	(erf) = vpow2.f32 v15;
	(pc) =	sbr.rel @p0 .LBB2_2-.Ltmp0, $4  }
0x78: {  	v15 =	vmul.f32 v20, v2;
	v2 =	vmov v17;
	(erf) = vpow2.f32 v18;
	v14, _, _ =	vpop (xrf2)  }
0x79: {  	v17, _, _ =	vpop (xrf0);
	v18 =	vbroadcast v14, $0xF;
	(erf) = vrcp.f32 v16;
	[tilespmem:s10+$0xFFFFFF80] =	vst v13  }
0x7a: {  	v13 =	vbroadcast v17, $0xF;
	(erf) = vrcp.f32 v19;
	[tilespmem:s10+$0x0] =	vst v15;
	s10 =	smov.u32 s9  }
0x7b: {  	s12 =	sadd.s32 $0x200, s12;
	v14, _, _ =	vpop (xrf0);
	(erf) = vrcp.f32 v18  }
0x7c: {  	v14 =	vbroadcast v14, $0xF;
	vm4 =	veq.f32 v11, v13;
	s11 =	spop (v2sf);
	v35, _, _ =	vpop (xrf0)  }
0x7d: {  	s11 =	smax.f32 s11, $0.0e+00;
	v11 =	vbroadcast v35, $0xF;
	v13 =	vmctz.xlane vm4;
	v15, _, _ =	vpop (xrf0)  }
0x7e: {  	s12 =	spop (v2sf);
	v15 =	vbroadcast v15, $0xF;
	vm13 =	veq.f32 v9, v14;
	v36 =	vmov s11;
	v37, _, _ =	vpop (xrf2)  }
0x7f: {  	vm5 =	veq.f32 v10, v11;
	vm6 =	veq.s32 v13, v0;
	s28 =	spop (v2sf);
	v38 =	vbroadcast v37, $0xF  }
0x80: {  	v39 =	vmctz.xlane vm13;
	vm7 =	veq.f32 v12, v15;
	vm3 =	vmor vm3, vm6;
	s11 =	smax.f32 s28, $0.0e+00  }
0x81: {  	v7 =	vnsel vm3, $0x0, v7;
	v40 =	vmov s11;
	v41 =	vmctz.xlane vm7  }
0x82: {  	v42 =	vmctz.xlane vm5;
	vm14 =	veq.s32 v39, v0;
	v7 =	vsub.f32 v7, v40  }
0x83: {  	s29 =	spop (v2sf);
	(erf) = vrcp.f32 v38;
	vm0 =	vmor vm0, vm14;
	vm15 =	veq.s32 v41, v0  }
0x84: {  	s11 =	smax.f32 s29, $0.0e+00;
	v3 =	vnsel vm0, $0x0, v3;
	vm2 =	vmor vm2, vm15;
	v7 =	vmul.f32 $1.442695020e+00, v7  }
0x85: {  	v43 =	vmov s11;
	v3 =	vsub.f32 v3, v36;
	v5 =	vnsel vm2, $0x0, v5  }
0x86: {  	vm5 =	veq.s32 v42, v0;
	v5 =	vsub.f32 v5, v43;
	(erf) = vpow2.f32 v7  }
0x87: {  	s12 =	smax.f32 s12, $0.0e+00;
	vm1 =	vmor vm1, vm5;
	v3 =	vmul.f32 $1.442695020e+00, v3  }
0x88: {  	v44 =	vmov s12;
	v45 =	vpop (erf);
	v6 =	vnsel vm1, $0x0, v6;
	v5 =	vmul.f32 $1.442695020e+00, v5  }
0x89: {  	v46 =	vpop (erf);
	v6 =	vsub.f32 v6, v44  }
0x8a: {  	v47 =	vpop (erf);
	(erf) = vpow2.f32 v5  }
0x8b: {  	v6 =	vmul.f32 $1.442695020e+00, v6;
	(erf) = vpow2.f32 v3;
	v3 =	vpop (erf)  }
0x8c: {  	v48 =	vpop (erf)  }
0x8d: {  	(xrf2) =	vadd.scan.msk.f32 $0xffff, v45;
	(erf) = vpow2.f32 v6;
	v49 =	vpop (erf)  }
0x8e: {  	(xrf2) =	vadd.scan.msk.f32 $0xffff, v46;
	v50 =	vpop (erf)  }
0x8f: {  	(xrf2) =	vadd.scan.msk.f32 $0xffff, v47;
	v51 =	vpop (erf)  }
0x90: {  	(xrf2) =	vadd.scan.msk.f32 $0xffff, v51;
	_ =	sdelay $0x3  }
0x91: {  	v52 =	vpop (erf)  }
0x92: {  	v53 =	vpop (erf);
	(xrf2) =	vadd.scan.msk.f32 $0xffff, v52  }
0x93: {  	v54 =	vpop (erf);
	(xrf2) =	vadd.scan.msk.f32 $0xffff, v53  }
0x94: {  	v16, _, _ =	vpop (xrf2);
	(xrf2) =	vadd.scan.msk.f32 $0xffff, v54  }
0x95: {  	v17, _, _ =	vpop (xrf2);
	v16 =	vbroadcast v16, $0xF  }
0x96: {  	v18, _, _ =	vpop (xrf2);
	v17 =	vbroadcast v17, $0xF  }
0x97: {  	v55 =	vbroadcast v18, $0xF;
	(erf) = vrcp.f32 v16;
	v19, _, _ =	vpop (xrf2)  }
0x98: {  	(erf) = vrcp.f32 v17;
	v56 =	vbroadcast v19, $0xF  }
0x99: {  	(erf) = vrcp.f32 v55  }
0x9a: {  	(erf) = vrcp.f32 v56;
	_ =	sdelay $0x1  }
0x9b: {  	v57, _, _ =	vpop (xrf2)  }
0x9c: {  	v3 =	vmul.f32 v3, v4;
	v16 =	vbroadcast v57, $0xF;
	v58, _, _ =	vpop (xrf2)  }
0x9d: {  	v17 =	vbroadcast v58, $0xF;
	v59, _, _ =	vpop (xrf2)  }
0x9e: {  	v18 =	vbroadcast v59, $0xF;
	(erf) = vrcp.f32 v16  }
0x9f: {  	v60 =	vpop (erf);
	(erf) = vrcp.f32 v17  }
0xa0: {  	v1 =	vmul.f32 v48, v1;
	[tilespmem:s9+$0xFFFFFF00] =	vst v3;
	v3 =	vpop (erf);
	(erf) = vrcp.f32 v18  }
0xa1: {  	v2 =	vmul.f32 v49, v2;
	v61 =	vpop (erf)  }
0xa2: {  	[tilespmem:s10+$0xFFFFFF80] =	vst v1;
	v1 =	vmul.f32 v60, v45;
	v62 =	vpop (erf)  }
0xa3: {  	s30 =	sadd.s32 $0x200, s9;
	[tilespmem:s10+$0x0] =	vst v2;
	v2 =	vmul.f32 v62, v51  }
0xa4: {  	s31 =	sadd.s32 $0x200, s30;
	[tilespmem:s30+$0xFFFFFF00] =	vst v1;
	v1 =	vmul.f32 v3, v46  }
0xa5: {  	v8 =	vmul.f32 v50, v8;
	[tilespmem:s31+$0x80] =	vst v2;
	v2 =	vmul.f32 v61, v47;
	_ =	sdelay $0x1  }
0xa6: {  	[tilespmem:s30+$0x80] =	vst v8;
	v3 =	vpop (erf)  }
0xa7: {  	[tilespmem:s30+$0xFFFFFF80] =	vst v1;
	v1 =	vpop (erf);
	v3 =	vmul.f32 v3, v52  }
0xa8: {  	[tilespmem:s30+$0x0] =	vst v2;
	v1 =	vmul.f32 v1, v53;
	v2 =	vpop (erf)  }
0xa9: {  	s8 =	sadd.s32 $0x1, s8;
	[tilespmem:s31+$0xFFFFFF00] =	vst v3;
	v2 =	vmul.f32 v2, v54  }
0xaa: {  	p0 =	sne.s32 s8, s5;
	[tilespmem:s31+$0xFFFFFF80] =	vst v1  }
.Ltmp1:
0xab: {  	[tilespmem:s31+$0x0] =	vst v2;
	(pc) =	sbr.rel @p0 .LBB2_1-.Ltmp1, $4  }
0xac: {  	[hbm4b:s4+s2] =	stream.linear.scatter [tilespmem:s7], [sflag:$0x1], $0x10000, $0x38;
	v63 =	vld [tilespmem:$0x0]  }
0xad: {  	_ =	swait.ge [sflag:s6], $0x10000  }
0xae: {  	[sflag:s6] =	ssyncset.done $0x0  }
0xaf: {  	[sflag:s6] =	ssyncadd.s32 $0xFFFF0000  }
0xb0: {  	_ =	sfence.sel $0x180000  }
0xb1: {  	[bflag:$0x0] =	sbarrier.arrive $0xFFFF  }
0xb2: {  	p0 =	sne.s32 s1, $0x0;
	_ =	strace $0x90000047  }
0xb3: {  	s0 =	sadd.s32 @!p0 $0x100000, s0;
	[bflag:$0x2] =	sbarrier.arrive $0xFFFF  }
0xb4: {  	[sflag:s0] =	ssyncadd.tile.s32 @!p0 $0x1;
	_ =	shalt  }
.Lfunc_end2:
_tile_overlayer_lowered:
.L_overlay_start_2:
0xb5: {  	(tag) =	ssettag $0x2  }
0xb6: {  	s0 =	rddreg [dreg:$0x0];
	s2 =	stileid.u32  }
0xb7: {  	s1 =	rddreg [dreg:$0x1];
	p0 =	sne.s32 s2, $0x0  }
0xb8: {  	s3 =	rddreg [dreg:$0x2];
	[bflag:$0x3] =	sbarrier.arrive $0xFFFF;
	s2 =	simm.s32 @!p0 $0x1C01  }
0xb9: {  	[timem:s3], [sflag:s2] =	dma.local @!p0 [hbm:s0], s1  }
0xba: {  	s0 =	simm.s32 @!p0 $0x1  }
0xbb: {  	_ =	swait.ge @!p0 [sflag:s0], s1  }
0xbc: {  	s1 =	ssub.s32 @!p0 $0x0, s1;
	[sflag:s0] =	ssyncset.done @!p0 $0x0  }
0xbd: {  	[sflag:s0] =	ssyncadd.s32 @!p0 s1  }
0xbe: {  	[bflag:$0x3] =	sbarrier.arrive $0xFFFF  }
0xbf: {  	_ =	shalt  }

</sc_bundles>
